<compile_context>
chip_gen: v7x
topology: tpu7x:2x2x1
jax: 0.10.2.dev20260603
libtpu: 0.0.44.dev20260713+nightly
codegen_flags: <defaults>
</compile_context>

<pallas_src>
import functools

import jax
import jax.numpy as jnp
from jax import lax
from jax.experimental import pallas as pl
from jax.experimental.pallas import tpu as pltpu
from jax.experimental.pallas import tpu_sc as plsc

NC, C, D, K, ALPHA, BS = 64, 128, 32, 16, 4, 8
HM = 256
R = BS * NC * ALPHA
TOT = R * K
NWORK = 32
ROWS_PER_W = TOT // NWORK
CHUNK = 128
NCHUNK = ROWS_PER_W // CHUNK


@functools.lru_cache(maxsize=1)
def _make_gather_sc():
    mesh = plsc.VectorSubcoreMesh(core_axis_name="c", subcore_axis_name="s")

    @functools.partial(
        pl.kernel,
        mesh=mesh,
        out_type=jax.ShapeDtypeStruct((TOT, D), jnp.float32),
        scratch_types=[
            pltpu.VMEM((ROWS_PER_W,), jnp.int32),
            pltpu.VMEM((ROWS_PER_W, D), jnp.float32),
            pltpu.SemaphoreType.DMA,
        ],
        compiler_params=pltpu.CompilerParams(use_tc_tiling_on_sc=False),
    )
    def gather_body(pm_hbm, idx_hbm, out_hbm, idx_v, rows_v, sem):
        wid = lax.axis_index("s") * mesh.num_cores + lax.axis_index("c")
        base = wid * ROWS_PER_W
        pltpu.sync_copy(idx_hbm.at[pl.ds(base, ROWS_PER_W)], idx_v)
        copies = []
        for j in range(NCHUNK):
            copies.append(
                pltpu.async_copy(
                    pm_hbm.at[idx_v.at[pl.ds(j * CHUNK, CHUNK)]],
                    rows_v.at[pl.ds(j * CHUNK, CHUNK)],
                    sem,
                )
            )
        for c in copies:
            c.wait()
        pltpu.sync_copy(rows_v, out_hbm.at[pl.ds(base, ROWS_PER_W)])

    return gather_body


def _gather_sc(pm_flat, flat_idx):
    return _make_gather_sc()(pm_flat, flat_idx)


def _mlp_tc(nbr_ref, wc_ref, h_ref, nid_ref, w1t_ref, b1_ref, w2t_ref,
            b2_ref, out_ref):
    sig = jax.nn.sigmoid(wc_ref[...])
    g = sig[:, 0:1] * nbr_ref[0]
    for k in range(1, K):
        g = g + sig[:, k:k + 1] * nbr_ref[k]
    acc = jnp.dot(h_ref[...], w1t_ref[0:D, :],
                  preferred_element_type=jnp.float32)
    acc += jnp.dot(g, w1t_ref[D:2 * D, :],
                   preferred_element_type=jnp.float32)
    acc += jnp.dot(nid_ref[...], w1t_ref[2 * D:3 * D, :],
                   preferred_element_type=jnp.float32)
    mh = jnp.tanh(acc + b1_ref[...])
    msg = jnp.tanh(jnp.dot(mh, w2t_ref[...],
                           preferred_element_type=jnp.float32)
                   + b2_ref[...])
    bn = BS * NC
    out = msg[0:bn] + msg[bn:2 * bn] + msg[2 * bn:3 * bn] + msg[3 * bn:4 * bn]
    out_ref[...] = out * (1.0 / ALPHA)


def kernel(cc_signals_t, h, prev_messages, w_conn, decay_logit,
           primitives_state, hebbian_traces, msg_magnitude, conn_indices,
           state_w1, state_b1, state_w2, state_b2, msg_w1, msg_b1, msg_w2,
           msg_b2, mod_w1, mod_b1, mod_w2, mod_b2, neuron_id):
    h2 = h[:, :, C - ALPHA:, :].transpose(2, 0, 1, 3).reshape(R, D)
    wc2 = w_conn[:, :, C - ALPHA:, :].transpose(2, 0, 1, 3).reshape(R, K)
    nid2 = jnp.broadcast_to(
        neuron_id[:, C - ALPHA:, :].transpose(1, 0, 2)[:, None],
        (ALPHA, BS, NC, D)).reshape(R, D)

    idx_s = conn_indices[:, C - ALPHA:, :].astype(jnp.int32)
    bn_base = (jnp.arange(BS, dtype=jnp.int32)[:, None] * NC
               + jnp.arange(NC, dtype=jnp.int32)[None, :]) * C
    flat_idx = (idx_s.transpose(2, 1, 0)[:, :, None, :]
                + bn_base[None, None]).reshape(TOT)

    pm_flat = prev_messages.reshape(BS * NC * C, D)
    nbr = _gather_sc(pm_flat, flat_idx)
    nbr = nbr.reshape(K, R, D)

    out = pl.pallas_call(
        _mlp_tc,
        out_shape=jax.ShapeDtypeStruct((BS * NC, D), jnp.float32),
    )(nbr, wc2, h2, nid2,
      msg_w1.T, msg_b1.reshape(1, HM), msg_w2.T, msg_b2.reshape(1, D))

    return out.reshape(BS, NC * D)

# --- scband reference (transcript-rebuilt; emitter-appended) ---
"""Pipeline reference for scband-cell-memory-graph-53008486367747 (READ-ONLY COPY).

The authoritative reference and input builder live on the scoring server;
editing this copy changes nothing except your own understanding.
"""

import jax, jax.numpy as jnp
import numpy as np

NC, C, D, K, ALPHA, BS = 64, 128, 32, 16, 4, 8
HS, HM, HMOD = 256, 256, 128
DLM = NC * D

def setup_inputs(seed: int = 0):
    key = jax.random.key(seed)
    ks = jax.random.split(key, 20)
    state_in, msg_in, mod_in, mod_out = 3 * D + 1, 3 * D, K + 3 * D + 1, K + 1 + D
    inp = {}
    inp['cc_signals_t'] = jax.random.normal(ks[0], (BS, DLM), dtype=jnp.float32)
    inp['h'] = jax.random.normal(ks[1], (BS, NC, C, D), dtype=jnp.float32) * 0.1
    inp['prev_messages'] = jax.random.normal(ks[10], (BS, NC, C, D), dtype=jnp.float32) * 0.1
    inp['w_conn'] = jnp.zeros((BS, NC, C, K), jnp.float32)
    inp['decay_logit'] = jnp.zeros((BS, NC, C), jnp.float32)
    inp['primitives_state'] = jnp.zeros((BS, NC, C, D), jnp.float32)
    inp['hebbian_traces'] = jnp.zeros((BS, NC, C, K), jnp.float32)
    inp['msg_magnitude'] = jnp.zeros((BS, NC, C), jnp.float32)
    inp['conn_indices'] = jax.random.randint(ks[2], (NC, C, K), 0, C)
    inp['state_w1'] = jax.random.normal(ks[3], (HS, state_in), dtype=jnp.float32) * (2.0 / (state_in + HS)) ** 0.5
    inp['state_b1'] = jnp.zeros((HS,), jnp.float32)
    inp['state_w2'] = jax.random.normal(ks[4], (D, HS), dtype=jnp.float32) * (2.0 / (HS + D)) ** 0.5
    inp['state_b2'] = jnp.zeros((D,), jnp.float32)
    inp['msg_w1'] = jax.random.normal(ks[5], (HM, msg_in), dtype=jnp.float32) * (2.0 / (msg_in + HM)) ** 0.5
    inp['msg_b1'] = jnp.zeros((HM,), jnp.float32)
    inp['msg_w2'] = jax.random.normal(ks[6], (D, HM), dtype=jnp.float32) * (2.0 / (HM + D)) ** 0.5
    inp['msg_b2'] = jnp.zeros((D,), jnp.float32)
    inp['mod_w1'] = jax.random.normal(ks[7], (NC, HMOD, mod_in), dtype=jnp.float32) * (2.0 / (mod_in + HMOD)) ** 0.5
    inp['mod_b1'] = jnp.zeros((NC, HMOD), jnp.float32)
    inp['mod_w2'] = jax.random.normal(ks[8], (NC, HMOD, mod_out), dtype=jnp.float32) * (2.0 / (HMOD + mod_out)) ** 0.5
    inp['mod_b2'] = jnp.zeros((NC, mod_out), jnp.float32)
    inp['neuron_id'] = jax.random.normal(ks[9], (NC, C, D), dtype=jnp.float32) * (1.0 / D ** 0.5)
    return inp

def reference(cc_signals_t, h, prev_messages, w_conn, decay_logit, primitives_state, hebbian_traces, msg_magnitude, conn_indices, state_w1, state_b1, state_w2, state_b2, msg_w1, msg_b1, msg_w2, msg_b2, mod_w1, mod_b1, mod_w2, mod_b2, neuron_id):
    # inject: per-token LM signal added to the alpha inject neurons of each cell
    inject = cc_signals_t.reshape(BS, NC, D)[:, :, None, :]
    # cell-local weighted gather: each neuron reads its K in-cell neighbors
    w_sig = jax.nn.sigmoid(w_conn)
    nc_idx = jnp.arange(NC)[:, None, None]
    neighbors = prev_messages[:, nc_idx, conn_indices, :]  # [BS, NC, C, K, D]
    gathered = jnp.sum(w_sig[..., None] * neighbors, axis=3)
    gathered = gathered.at[:, :, :ALPHA, :].add(inject)
    # shared message MLP
    nid = jnp.broadcast_to(neuron_id[None], (BS, NC, C, D))
    m_in = jnp.concatenate([h, gathered, nid], axis=-1)
    mh = jnp.tanh(m_in @ msg_w1.T + msg_b1)
    msg = jnp.tanh(mh @ msg_w2.T + msg_b2)
    # shared state MLP with learned decay gating
    s_in = jnp.concatenate([h, gathered, msg, decay_logit[..., None]], axis=-1)
    sh = jnp.tanh(s_in @ state_w1.T + state_b1)
    dh = sh @ state_w2.T + state_b2
    decay = jax.nn.sigmoid(decay_logit)[..., None]
    h_new = decay * h + (1.0 - decay) * jnp.tanh(dh)
    msg_mag_new = jnp.sqrt(jnp.sum(msg * msg, axis=-1) + 1e-8)
    # per-cell modulator (updates runtime state for the next step)
    h_mean = h_new.mean(axis=2)
    decay_mean = decay_logit.mean(axis=2, keepdims=True)
    prim_mean = primitives_state.mean(axis=2)
    hebb_mean = hebbian_traces.mean(axis=2)
    activity = jnp.broadcast_to(msg_mag_new.mean(axis=2)[..., None], (BS, NC, D))
    mod_input = jnp.concatenate([hebb_mean, h_mean, decay_mean, prim_mean, activity], axis=-1)
    hidden = jnp.tanh(jnp.einsum('bci,chi->bch', mod_input, mod_w1) + mod_b1)
    output = jnp.einsum('bch,cho->bco', hidden, mod_w2) + mod_b2
    new_w_conn = jnp.broadcast_to(output[..., :K][:, :, None, :], (BS, NC, C, K))
    new_decay = jnp.broadcast_to(output[..., K][:, :, None], (BS, NC, C))
    new_prim = jnp.broadcast_to(output[..., K + 1:][:, :, None, :], (BS, NC, C, D))
    # per-token readout from the last alpha neurons of each cell
    readout = msg[:, :, C - ALPHA:, :].mean(axis=2).reshape(BS, DLM)
    return readout

if __name__ == "__main__":
    import jax
    _d = setup_inputs()
    print(jax.jit(kernel)(*tuple(_d.values())))

</pallas_src>

<mosaic_0001>
#map = affine_map<(d0, d1) -> (0, 0)>
#map1 = affine_map<(d0, d1) -> (0)>
module attributes {stable_mosaic.version = 14 : i64} {
  func.func @gather_body(%arg0: i32, %arg1: i32, %arg2: memref<65536x32xf32, #tpu.memory_space<hbm>>, %arg3: memref<32768xi32, #tpu.memory_space<hbm>>, %arg4: memref<32768x32xf32, #tpu.memory_space<hbm>>, %arg5: memref<1024xi32, #tpu.memory_space<vmem>>, %arg6: memref<1024x32xf32, #tpu.memory_space<vmem>>, %arg7: memref<!tpu.dma_semaphore, #tpu.memory_space<semaphore_mem>>) attributes {dimension_semantics = [#tpu.dimension_semantics<core_parallel>, #tpu.dimension_semantics<subcore_parallel>], iteration_bounds = array<i64: 2, 16>, scalar_prefetch = 0 : i64, scratch_operands = 3 : i64, tpu.core_type = #tpu.core_type<sc_vector_subcore>, window_params = [{transform_indices = #map}, {transform_indices = #map1}, {transform_indices = #map}]} {
    %mul3A = arith.constant 2 : i32
    %mul3A_0 = arith.muli %arg1, %mul3A : i32
    %add3A = arith.addi %mul3A_0, %arg0 : i32
    %mul3A_1 = arith.constant 1024 : i32
    %mul3A_2 = arith.muli %add3A, %mul3A_1 : i32
    "tpu.region"() ({
      %run_scoped3A = tpu.sem_alloc : memref<!tpu.dma_semaphore, #tpu.memory_space<semaphore_mem>>
      %dma_start3A_129 = tpu.memref_slice %arg3[%mul3A_2] : memref<32768xi32, #tpu.memory_space<hbm>> -> memref<1024xi32, #tpu.memory_space<hbm>>
      %dma_start3A_130 = tpu.memref_slice %arg3[%mul3A_2] : memref<32768xi32, #tpu.memory_space<hbm>> -> memref<1024xi32, #tpu.memory_space<hbm>>
      tpu.enqueue_dma source(%dma_start3A_130 : memref<1024xi32, #tpu.memory_space<hbm>>) target(%arg5 : memref<1024xi32, #tpu.memory_space<vmem>>) target_semaphore(%run_scoped3A : memref<!tpu.dma_semaphore, #tpu.memory_space<semaphore_mem>>)
      %dma_wait3A_131 = tpu.memref_slice %arg3[%mul3A_2] : memref<32768xi32, #tpu.memory_space<hbm>> -> memref<1024xi32, #tpu.memory_space<hbm>>
      %dma_wait3A_132 = tpu.memref_slice %arg3[%mul3A_2] : memref<32768xi32, #tpu.memory_space<hbm>> -> memref<1024xi32, #tpu.memory_space<hbm>>
      tpu.wait_dma2 semaphore(%run_scoped3A : memref<!tpu.dma_semaphore, #tpu.memory_space<semaphore_mem>>) src(%dma_wait3A_132 : memref<1024xi32, #tpu.memory_space<hbm>>) dst(%arg5 : memref<1024xi32, #tpu.memory_space<vmem>>)
      tpu.yield
    }) : () -> ()
    %dma_start3A = arith.constant 0 : i32
    %dma_start3A_3 = arith.constant 0 : i32
    %dma_start3A_4 = tpu.memref_slice %arg6[%dma_start3A, %dma_start3A_3] : memref<1024x32xf32, #tpu.memory_space<vmem>> -> memref<128x32xf32, #tpu.memory_space<vmem>>
    %dma_start3A_5 = arith.constant 0 : i32
    %dma_start3A_6 = tpu.memref_slice %arg5[%dma_start3A_5] : memref<1024xi32, #tpu.memory_space<vmem>> -> memref<128xi32, #tpu.memory_space<vmem>>
    %dma_start3A_7 = arith.constant 0 : i32
    %dma_start3A_8 = arith.constant 0 : i32
    %dma_start3A_9 = tpu.memref_slice %arg2[%dma_start3A_7, %dma_start3A_8] : memref<65536x32xf32, #tpu.memory_space<hbm>> -> memref<65536x32xf32, #tpu.memory_space<hbm>>
    tpu.enqueue_indirect_dma source(%dma_start3A_9 : memref<65536x32xf32, #tpu.memory_space<hbm>>) target(%dma_start3A_4 : memref<128x32xf32, #tpu.memory_space<vmem>>) offsets(%dma_start3A_6 : memref<128xi32, #tpu.memory_space<vmem>>) semaphore(%arg7 : memref<!tpu.dma_semaphore, #tpu.memory_space<semaphore_mem>>)
    %dma_start3A_10 = arith.constant 128 : i32
    %dma_start3A_11 = arith.constant 0 : i32
    %dma_start3A_12 = tpu.memref_slice %arg6[%dma_start3A_10, %dma_start3A_11] : memref<1024x32xf32, #tpu.memory_space<vmem>> -> memref<128x32xf32, #tpu.memory_space<vmem>>
    %dma_start3A_13 = arith.constant 128 : i32
    %dma_start3A_14 = tpu.memref_slice %arg5[%dma_start3A_13] : memref<1024xi32, #tpu.memory_space<vmem>> -> memref<128xi32, #tpu.memory_space<vmem>>
    %dma_start3A_15 = arith.constant 0 : i32
    %dma_start3A_16 = arith.constant 0 : i32
    %dma_start3A_17 = tpu.memref_slice %arg2[%dma_start3A_15, %dma_start3A_16] : memref<65536x32xf32, #tpu.memory_space<hbm>> -> memref<65536x32xf32, #tpu.memory_space<hbm>>
    tpu.enqueue_indirect_dma source(%dma_start3A_17 : memref<65536x32xf32, #tpu.memory_space<hbm>>) target(%dma_start3A_12 : memref<128x32xf32, #tpu.memory_space<vmem>>) offsets(%dma_start3A_14 : memref<128xi32, #tpu.memory_space<vmem>>) semaphore(%arg7 : memref<!tpu.dma_semaphore, #tpu.memory_space<semaphore_mem>>)
    %dma_start3A_18 = arith.constant 256 : i32
    %dma_start3A_19 = arith.constant 0 : i32
    %dma_start3A_20 = tpu.memref_slice %arg6[%dma_start3A_18, %dma_start3A_19] : memref<1024x32xf32, #tpu.memory_space<vmem>> -> memref<128x32xf32, #tpu.memory_space<vmem>>
    %dma_start3A_21 = arith.constant 256 : i32
    %dma_start3A_22 = tpu.memref_slice %arg5[%dma_start3A_21] : memref<1024xi32, #tpu.memory_space<vmem>> -> memref<128xi32, #tpu.memory_space<vmem>>
    %dma_start3A_23 = arith.constant 0 : i32
    %dma_start3A_24 = arith.constant 0 : i32
    %dma_start3A_25 = tpu.memref_slice %arg2[%dma_start3A_23, %dma_start3A_24] : memref<65536x32xf32, #tpu.memory_space<hbm>> -> memref<65536x32xf32, #tpu.memory_space<hbm>>
    tpu.enqueue_indirect_dma source(%dma_start3A_25 : memref<65536x32xf32, #tpu.memory_space<hbm>>) target(%dma_start3A_20 : memref<128x32xf32, #tpu.memory_space<vmem>>) offsets(%dma_start3A_22 : memref<128xi32, #tpu.memory_space<vmem>>) semaphore(%arg7 : memref<!tpu.dma_semaphore, #tpu.memory_space<semaphore_mem>>)
    %dma_start3A_26 = arith.constant 384 : i32
    %dma_start3A_27 = arith.constant 0 : i32
    %dma_start3A_28 = tpu.memref_slice %arg6[%dma_start3A_26, %dma_start3A_27] : memref<1024x32xf32, #tpu.memory_space<vmem>> -> memref<128x32xf32, #tpu.memory_space<vmem>>
    %dma_start3A_29 = arith.constant 384 : i32
    %dma_start3A_30 = tpu.memref_slice %arg5[%dma_start3A_29] : memref<1024xi32, #tpu.memory_space<vmem>> -> memref<128xi32, #tpu.memory_space<vmem>>
    %dma_start3A_31 = arith.constant 0 : i32
    %dma_start3A_32 = arith.constant 0 : i32
    %dma_start3A_33 = tpu.memref_slice %arg2[%dma_start3A_31, %dma_start3A_32] : memref<65536x32xf32, #tpu.memory_space<hbm>> -> memref<65536x32xf32, #tpu.memory_space<hbm>>
    tpu.enqueue_indirect_dma source(%dma_start3A_33 : memref<65536x32xf32, #tpu.memory_space<hbm>>) target(%dma_start3A_28 : memref<128x32xf32, #tpu.memory_space<vmem>>) offsets(%dma_start3A_30 : memref<128xi32, #tpu.memory_space<vmem>>) semaphore(%arg7 : memref<!tpu.dma_semaphore, #tpu.memory_space<semaphore_mem>>)
    %dma_start3A_34 = arith.constant 512 : i32
    %dma_start3A_35 = arith.constant 0 : i32
    %dma_start3A_36 = tpu.memref_slice %arg6[%dma_start3A_34, %dma_start3A_35] : memref<1024x32xf32, #tpu.memory_space<vmem>> -> memref<128x32xf32, #tpu.memory_space<vmem>>
    %dma_start3A_37 = arith.constant 512 : i32
    %dma_start3A_38 = tpu.memref_slice %arg5[%dma_start3A_37] : memref<1024xi32, #tpu.memory_space<vmem>> -> memref<128xi32, #tpu.memory_space<vmem>>
    %dma_start3A_39 = arith.constant 0 : i32
    %dma_start3A_40 = arith.constant 0 : i32
    %dma_start3A_41 = tpu.memref_slice %arg2[%dma_start3A_39, %dma_start3A_40] : memref<65536x32xf32, #tpu.memory_space<hbm>> -> memref<65536x32xf32, #tpu.memory_space<hbm>>
    tpu.enqueue_indirect_dma source(%dma_start3A_41 : memref<65536x32xf32, #tpu.memory_space<hbm>>) target(%dma_start3A_36 : memref<128x32xf32, #tpu.memory_space<vmem>>) offsets(%dma_start3A_38 : memref<128xi32, #tpu.memory_space<vmem>>) semaphore(%arg7 : memref<!tpu.dma_semaphore, #tpu.memory_space<semaphore_mem>>)
    %dma_start3A_42 = arith.constant 640 : i32
    %dma_start3A_43 = arith.constant 0 : i32
    %dma_start3A_44 = tpu.memref_slice %arg6[%dma_start3A_42, %dma_start3A_43] : memref<1024x32xf32, #tpu.memory_space<vmem>> -> memref<128x32xf32, #tpu.memory_space<vmem>>
    %dma_start3A_45 = arith.constant 640 : i32
    %dma_start3A_46 = tpu.memref_slice %arg5[%dma_start3A_45] : memref<1024xi32, #tpu.memory_space<vmem>> -> memref<128xi32, #tpu.memory_space<vmem>>
    %dma_start3A_47 = arith.constant 0 : i32
    %dma_start3A_48 = arith.constant 0 : i32
    %dma_start3A_49 = tpu.memref_slice %arg2[%dma_start3A_47, %dma_start3A_48] : memref<65536x32xf32, #tpu.memory_space<hbm>> -> memref<65536x32xf32, #tpu.memory_space<hbm>>
    tpu.enqueue_indirect_dma source(%dma_start3A_49 : memref<65536x32xf32, #tpu.memory_space<hbm>>) target(%dma_start3A_44 : memref<128x32xf32, #tpu.memory_space<vmem>>) offsets(%dma_start3A_46 : memref<128xi32, #tpu.memory_space<vmem>>) semaphore(%arg7 : memref<!tpu.dma_semaphore, #tpu.memory_space<semaphore_mem>>)
    %dma_start3A_50 = arith.constant 768 : i32
    %dma_start3A_51 = arith.constant 0 : i32
    %dma_start3A_52 = tpu.memref_slice %arg6[%dma_start3A_50, %dma_start3A_51] : memref<1024x32xf32, #tpu.memory_space<vmem>> -> memref<128x32xf32, #tpu.memory_space<vmem>>
    %dma_start3A_53 = arith.constant 768 : i32
    %dma_start3A_54 = tpu.memref_slice %arg5[%dma_start3A_53] : memref<1024xi32, #tpu.memory_space<vmem>> -> memref<128xi32, #tpu.memory_space<vmem>>
    %dma_start3A_55 = arith.constant 0 : i32
    %dma_start3A_56 = arith.constant 0 : i32
    %dma_start3A_57 = tpu.memref_slice %arg2[%dma_start3A_55, %dma_start3A_56] : memref<65536x32xf32, #tpu.memory_space<hbm>> -> memref<65536x32xf32, #tpu.memory_space<hbm>>
    tpu.enqueue_indirect_dma source(%dma_start3A_57 : memref<65536x32xf32, #tpu.memory_space<hbm>>) target(%dma_start3A_52 : memref<128x32xf32, #tpu.memory_space<vmem>>) offsets(%dma_start3A_54 : memref<128xi32, #tpu.memory_space<vmem>>) semaphore(%arg7 : memref<!tpu.dma_semaphore, #tpu.memory_space<semaphore_mem>>)
    %dma_start3A_58 = arith.constant 896 : i32
    %dma_start3A_59 = arith.constant 0 : i32
    %dma_start3A_60 = tpu.memref_slice %arg6[%dma_start3A_58, %dma_start3A_59] : memref<1024x32xf32, #tpu.memory_space<vmem>> -> memref<128x32xf32, #tpu.memory_space<vmem>>
    %dma_start3A_61 = arith.constant 896 : i32
    %dma_start3A_62 = tpu.memref_slice %arg5[%dma_start3A_61] : memref<1024xi32, #tpu.memory_space<vmem>> -> memref<128xi32, #tpu.memory_space<vmem>>
    %dma_start3A_63 = arith.constant 0 : i32
    %dma_start3A_64 = arith.constant 0 : i32
    %dma_start3A_65 = tpu.memref_slice %arg2[%dma_start3A_63, %dma_start3A_64] : memref<65536x32xf32, #tpu.memory_space<hbm>> -> memref<65536x32xf32, #tpu.memory_space<hbm>>
    tpu.enqueue_indirect_dma source(%dma_start3A_65 : memref<65536x32xf32, #tpu.memory_space<hbm>>) target(%dma_start3A_60 : memref<128x32xf32, #tpu.memory_space<vmem>>) offsets(%dma_start3A_62 : memref<128xi32, #tpu.memory_space<vmem>>) semaphore(%arg7 : memref<!tpu.dma_semaphore, #tpu.memory_space<semaphore_mem>>)
    %dma_wait3A = arith.constant 0 : i32
    %dma_wait3A_66 = arith.constant 0 : i32
    %dma_wait3A_67 = tpu.memref_slice %arg6[%dma_wait3A, %dma_wait3A_66] : memref<1024x32xf32, #tpu.memory_space<vmem>> -> memref<128x32xf32, #tpu.memory_space<vmem>>
    %dma_wait3A_68 = arith.constant 0 : i32
    %dma_wait3A_69 = tpu.memref_slice %arg5[%dma_wait3A_68] : memref<1024xi32, #tpu.memory_space<vmem>> -> memref<128xi32, #tpu.memory_space<vmem>>
    %dma_wait3A_70 = arith.constant 0 : i32
    %dma_wait3A_71 = arith.constant 0 : i32
    %dma_wait3A_72 = tpu.memref_slice %arg2[%dma_wait3A_70, %dma_wait3A_71] : memref<65536x32xf32, #tpu.memory_space<hbm>> -> memref<65536x32xf32, #tpu.memory_space<hbm>>
    tpu.wait_indirect_dma semaphore(%arg7 : memref<!tpu.dma_semaphore, #tpu.memory_space<semaphore_mem>>) src(%dma_wait3A_72 : memref<65536x32xf32, #tpu.memory_space<hbm>>) dst(%dma_wait3A_67 : memref<128x32xf32, #tpu.memory_space<vmem>>)
    %dma_wait3A_73 = arith.constant 128 : i32
    %dma_wait3A_74 = arith.constant 0 : i32
    %dma_wait3A_75 = tpu.memref_slice %arg6[%dma_wait3A_73, %dma_wait3A_74] : memref<1024x32xf32, #tpu.memory_space<vmem>> -> memref<128x32xf32, #tpu.memory_space<vmem>>
    %dma_wait3A_76 = arith.constant 128 : i32
    %dma_wait3A_77 = tpu.memref_slice %arg5[%dma_wait3A_76] : memref<1024xi32, #tpu.memory_space<vmem>> -> memref<128xi32, #tpu.memory_space<vmem>>
    %dma_wait3A_78 = arith.constant 0 : i32
    %dma_wait3A_79 = arith.constant 0 : i32
    %dma_wait3A_80 = tpu.memref_slice %arg2[%dma_wait3A_78, %dma_wait3A_79] : memref<65536x32xf32, #tpu.memory_space<hbm>> -> memref<65536x32xf32, #tpu.memory_space<hbm>>
    tpu.wait_indirect_dma semaphore(%arg7 : memref<!tpu.dma_semaphore, #tpu.memory_space<semaphore_mem>>) src(%dma_wait3A_80 : memref<65536x32xf32, #tpu.memory_space<hbm>>) dst(%dma_wait3A_75 : memref<128x32xf32, #tpu.memory_space<vmem>>)
    %dma_wait3A_81 = arith.constant 256 : i32
    %dma_wait3A_82 = arith.constant 0 : i32
    %dma_wait3A_83 = tpu.memref_slice %arg6[%dma_wait3A_81, %dma_wait3A_82] : memref<1024x32xf32, #tpu.memory_space<vmem>> -> memref<128x32xf32, #tpu.memory_space<vmem>>
    %dma_wait3A_84 = arith.constant 256 : i32
    %dma_wait3A_85 = tpu.memref_slice %arg5[%dma_wait3A_84] : memref<1024xi32, #tpu.memory_space<vmem>> -> memref<128xi32, #tpu.memory_space<vmem>>
    %dma_wait3A_86 = arith.constant 0 : i32
    %dma_wait3A_87 = arith.constant 0 : i32
    %dma_wait3A_88 = tpu.memref_slice %arg2[%dma_wait3A_86, %dma_wait3A_87] : memref<65536x32xf32, #tpu.memory_space<hbm>> -> memref<65536x32xf32, #tpu.memory_space<hbm>>
    tpu.wait_indirect_dma semaphore(%arg7 : memref<!tpu.dma_semaphore, #tpu.memory_space<semaphore_mem>>) src(%dma_wait3A_88 : memref<65536x32xf32, #tpu.memory_space<hbm>>) dst(%dma_wait3A_83 : memref<128x32xf32, #tpu.memory_space<vmem>>)
    %dma_wait3A_89 = arith.constant 384 : i32
    %dma_wait3A_90 = arith.constant 0 : i32
    %dma_wait3A_91 = tpu.memref_slice %arg6[%dma_wait3A_89, %dma_wait3A_90] : memref<1024x32xf32, #tpu.memory_space<vmem>> -> memref<128x32xf32, #tpu.memory_space<vmem>>
    %dma_wait3A_92 = arith.constant 384 : i32
    %dma_wait3A_93 = tpu.memref_slice %arg5[%dma_wait3A_92] : memref<1024xi32, #tpu.memory_space<vmem>> -> memref<128xi32, #tpu.memory_space<vmem>>
    %dma_wait3A_94 = arith.constant 0 : i32
    %dma_wait3A_95 = arith.constant 0 : i32
    %dma_wait3A_96 = tpu.memref_slice %arg2[%dma_wait3A_94, %dma_wait3A_95] : memref<65536x32xf32, #tpu.memory_space<hbm>> -> memref<65536x32xf32, #tpu.memory_space<hbm>>
    tpu.wait_indirect_dma semaphore(%arg7 : memref<!tpu.dma_semaphore, #tpu.memory_space<semaphore_mem>>) src(%dma_wait3A_96 : memref<65536x32xf32, #tpu.memory_space<hbm>>) dst(%dma_wait3A_91 : memref<128x32xf32, #tpu.memory_space<vmem>>)
    %dma_wait3A_97 = arith.constant 512 : i32
    %dma_wait3A_98 = arith.constant 0 : i32
    %dma_wait3A_99 = tpu.memref_slice %arg6[%dma_wait3A_97, %dma_wait3A_98] : memref<1024x32xf32, #tpu.memory_space<vmem>> -> memref<128x32xf32, #tpu.memory_space<vmem>>
    %dma_wait3A_100 = arith.constant 512 : i32
    %dma_wait3A_101 = tpu.memref_slice %arg5[%dma_wait3A_100] : memref<1024xi32, #tpu.memory_space<vmem>> -> memref<128xi32, #tpu.memory_space<vmem>>
    %dma_wait3A_102 = arith.constant 0 : i32
    %dma_wait3A_103 = arith.constant 0 : i32
    %dma_wait3A_104 = tpu.memref_slice %arg2[%dma_wait3A_102, %dma_wait3A_103] : memref<65536x32xf32, #tpu.memory_space<hbm>> -> memref<65536x32xf32, #tpu.memory_space<hbm>>
    tpu.wait_indirect_dma semaphore(%arg7 : memref<!tpu.dma_semaphore, #tpu.memory_space<semaphore_mem>>) src(%dma_wait3A_104 : memref<65536x32xf32, #tpu.memory_space<hbm>>) dst(%dma_wait3A_99 : memref<128x32xf32, #tpu.memory_space<vmem>>)
    %dma_wait3A_105 = arith.constant 640 : i32
    %dma_wait3A_106 = arith.constant 0 : i32
    %dma_wait3A_107 = tpu.memref_slice %arg6[%dma_wait3A_105, %dma_wait3A_106] : memref<1024x32xf32, #tpu.memory_space<vmem>> -> memref<128x32xf32, #tpu.memory_space<vmem>>
    %dma_wait3A_108 = arith.constant 640 : i32
    %dma_wait3A_109 = tpu.memref_slice %arg5[%dma_wait3A_108] : memref<1024xi32, #tpu.memory_space<vmem>> -> memref<128xi32, #tpu.memory_space<vmem>>
    %dma_wait3A_110 = arith.constant 0 : i32
    %dma_wait3A_111 = arith.constant 0 : i32
    %dma_wait3A_112 = tpu.memref_slice %arg2[%dma_wait3A_110, %dma_wait3A_111] : memref<65536x32xf32, #tpu.memory_space<hbm>> -> memref<65536x32xf32, #tpu.memory_space<hbm>>
    tpu.wait_indirect_dma semaphore(%arg7 : memref<!tpu.dma_semaphore, #tpu.memory_space<semaphore_mem>>) src(%dma_wait3A_112 : memref<65536x32xf32, #tpu.memory_space<hbm>>) dst(%dma_wait3A_107 : memref<128x32xf32, #tpu.memory_space<vmem>>)
    %dma_wait3A_113 = arith.constant 768 : i32
    %dma_wait3A_114 = arith.constant 0 : i32
    %dma_wait3A_115 = tpu.memref_slice %arg6[%dma_wait3A_113, %dma_wait3A_114] : memref<1024x32xf32, #tpu.memory_space<vmem>> -> memref<128x32xf32, #tpu.memory_space<vmem>>
    %dma_wait3A_116 = arith.constant 768 : i32
    %dma_wait3A_117 = tpu.memref_slice %arg5[%dma_wait3A_116] : memref<1024xi32, #tpu.memory_space<vmem>> -> memref<128xi32, #tpu.memory_space<vmem>>
    %dma_wait3A_118 = arith.constant 0 : i32
    %dma_wait3A_119 = arith.constant 0 : i32
    %dma_wait3A_120 = tpu.memref_slice %arg2[%dma_wait3A_118, %dma_wait3A_119] : memref<65536x32xf32, #tpu.memory_space<hbm>> -> memref<65536x32xf32, #tpu.memory_space<hbm>>
    tpu.wait_indirect_dma semaphore(%arg7 : memref<!tpu.dma_semaphore, #tpu.memory_space<semaphore_mem>>) src(%dma_wait3A_120 : memref<65536x32xf32, #tpu.memory_space<hbm>>) dst(%dma_wait3A_115 : memref<128x32xf32, #tpu.memory_space<vmem>>)
    %dma_wait3A_121 = arith.constant 896 : i32
    %dma_wait3A_122 = arith.constant 0 : i32
    %dma_wait3A_123 = tpu.memref_slice %arg6[%dma_wait3A_121, %dma_wait3A_122] : memref<1024x32xf32, #tpu.memory_space<vmem>> -> memref<128x32xf32, #tpu.memory_space<vmem>>
    %dma_wait3A_124 = arith.constant 896 : i32
    %dma_wait3A_125 = tpu.memref_slice %arg5[%dma_wait3A_124] : memref<1024xi32, #tpu.memory_space<vmem>> -> memref<128xi32, #tpu.memory_space<vmem>>
    %dma_wait3A_126 = arith.constant 0 : i32
    %dma_wait3A_127 = arith.constant 0 : i32
    %dma_wait3A_128 = tpu.memref_slice %arg2[%dma_wait3A_126, %dma_wait3A_127] : memref<65536x32xf32, #tpu.memory_space<hbm>> -> memref<65536x32xf32, #tpu.memory_space<hbm>>
    tpu.wait_indirect_dma semaphore(%arg7 : memref<!tpu.dma_semaphore, #tpu.memory_space<semaphore_mem>>) src(%dma_wait3A_128 : memref<65536x32xf32, #tpu.memory_space<hbm>>) dst(%dma_wait3A_123 : memref<128x32xf32, #tpu.memory_space<vmem>>)
    "tpu.region"() ({
      %run_scoped3A = tpu.sem_alloc : memref<!tpu.dma_semaphore, #tpu.memory_space<semaphore_mem>>
      %dma_start3A_129 = arith.constant 0 : i32
      %dma_start3A_130 = tpu.memref_slice %arg4[%mul3A_2, %dma_start3A_129] : memref<32768x32xf32, #tpu.memory_space<hbm>> -> memref<1024x32xf32, #tpu.memory_space<hbm>>
      %dma_start3A_131 = arith.constant 0 : i32
      %dma_start3A_132 = tpu.memref_slice %arg4[%mul3A_2, %dma_start3A_131] : memref<32768x32xf32, #tpu.memory_space<hbm>> -> memref<1024x32xf32, #tpu.memory_space<hbm>>
      tpu.enqueue_dma source(%arg6 : memref<1024x32xf32, #tpu.memory_space<vmem>>) target(%dma_start3A_132 : memref<1024x32xf32, #tpu.memory_space<hbm>>) target_semaphore(%run_scoped3A : memref<!tpu.dma_semaphore, #tpu.memory_space<semaphore_mem>>)
      %dma_wait3A_133 = arith.constant 0 : i32
      %dma_wait3A_134 = tpu.memref_slice %arg4[%mul3A_2, %dma_wait3A_133] : memref<32768x32xf32, #tpu.memory_space<hbm>> -> memref<1024x32xf32, #tpu.memory_space<hbm>>
      %dma_wait3A_135 = arith.constant 0 : i32
      %dma_wait3A_136 = tpu.memref_slice %arg4[%mul3A_2, %dma_wait3A_135] : memref<32768x32xf32, #tpu.memory_space<hbm>> -> memref<1024x32xf32, #tpu.memory_space<hbm>>
      tpu.wait_dma2 semaphore(%run_scoped3A : memref<!tpu.dma_semaphore, #tpu.memory_space<semaphore_mem>>) src(%arg6 : memref<1024x32xf32, #tpu.memory_space<vmem>>) dst(%dma_wait3A_136 : memref<1024x32xf32, #tpu.memory_space<hbm>>)
      tpu.yield
    }) : () -> ()
    return
  }
}

module attributes {stable_mosaic.version = 14 : i64} {
  func.func @_mlp_tc(%arg0: memref<16x2048x32xf32, #tpu.memory_space<vmem>>, %arg1: memref<2048x16xf32, #tpu.memory_space<vmem>>, %arg2: memref<2048x32xf32, #tpu.memory_space<vmem>>, %arg3: memref<2048x32xf32, #tpu.memory_space<vmem>>, %arg4: memref<96x256xf32, #tpu.memory_space<vmem>>, %arg5: memref<1x256xf32, #tpu.memory_space<vmem>>, %arg6: memref<256x32xf32, #tpu.memory_space<vmem>>, %arg7: memref<1x32xf32, #tpu.memory_space<vmem>>, %arg8: memref<512x32xf32, #tpu.memory_space<vmem>>) attributes {dimension_semantics = [], scalar_prefetch = 0 : i64, scratch_operands = 0 : i64, tpu.core_type = #tpu.core_type<tc>} {
    %get3A = arith.constant 0 : index
    %get3A_0 = arith.constant 0 : index
    %get3A_1 = vector.load %arg1[%get3A, %get3A_0] : memref<2048x16xf32, #tpu.memory_space<vmem>>, vector<2048x16xf32>
    %logistic3A = arith.negf %get3A_1 : vector<2048x16xf32>
    %logistic3A_2 = math.exp %logistic3A : vector<2048x16xf32>
    %logistic3A_3 = arith.constant 1.000000e+00 : f32
    %logistic3A_4 = vector.broadcast %logistic3A_3 : f32 to vector<2048x16xf32>
    %logistic3A_5 = arith.addf %logistic3A_4, %logistic3A_2 : vector<2048x16xf32>
    %logistic3A_6 = arith.divf %logistic3A_4, %logistic3A_5 : vector<2048x16xf32>
    %slice3A = vector.extract_strided_slice %logistic3A_6 {offsets = [0, 0], sizes = [2048, 1], strides = [1, 1]} : vector<2048x16xf32> to vector<2048x1xf32>
    %get3A_7 = arith.constant 0 : index
    %get3A_8 = arith.constant 0 : index
    %get3A_9 = arith.constant 0 : index
    %get3A_10 = vector.load %arg0[%get3A_7, %get3A_8, %get3A_9] : memref<16x2048x32xf32, #tpu.memory_space<vmem>>, vector<1x2048x32xf32>
    %get3A_11 = vector.shape_cast %get3A_10 : vector<1x2048x32xf32> to vector<2048x32xf32>
    %mul3A = vector.broadcast %slice3A : vector<2048x1xf32> to vector<2048x32xf32>
    %mul3A_12 = arith.mulf %mul3A, %get3A_11 : vector<2048x32xf32>
    %slice3A_13 = vector.extract_strided_slice %logistic3A_6 {offsets = [0, 1], sizes = [2048, 1], strides = [1, 1]} : vector<2048x16xf32> to vector<2048x1xf32>
    %get3A_14 = arith.constant 1 : index
    %get3A_15 = arith.constant 0 : index
    %get3A_16 = arith.constant 0 : index
    %get3A_17 = vector.load %arg0[%get3A_14, %get3A_15, %get3A_16] : memref<16x2048x32xf32, #tpu.memory_space<vmem>>, vector<1x2048x32xf32>
    %get3A_18 = vector.shape_cast %get3A_17 : vector<1x2048x32xf32> to vector<2048x32xf32>
    %mul3A_19 = vector.broadcast %slice3A_13 : vector<2048x1xf32> to vector<2048x32xf32>
    %mul3A_20 = arith.mulf %mul3A_19, %get3A_18 : vector<2048x32xf32>
    %add3A = arith.addf %mul3A_12, %mul3A_20 : vector<2048x32xf32>
    %slice3A_21 = vector.extract_strided_slice %logistic3A_6 {offsets = [0, 2], sizes = [2048, 1], strides = [1, 1]} : vector<2048x16xf32> to vector<2048x1xf32>
    %get3A_22 = arith.constant 2 : index
    %get3A_23 = arith.constant 0 : index
    %get3A_24 = arith.constant 0 : index
    %get3A_25 = vector.load %arg0[%get3A_22, %get3A_23, %get3A_24] : memref<16x2048x32xf32, #tpu.memory_space<vmem>>, vector<1x2048x32xf32>
    %get3A_26 = vector.shape_cast %get3A_25 : vector<1x2048x32xf32> to vector<2048x32xf32>
    %mul3A_27 = vector.broadcast %slice3A_21 : vector<2048x1xf32> to vector<2048x32xf32>
    %mul3A_28 = arith.mulf %mul3A_27, %get3A_26 : vector<2048x32xf32>
    %add3A_29 = arith.addf %add3A, %mul3A_28 : vector<2048x32xf32>
    %slice3A_30 = vector.extract_strided_slice %logistic3A_6 {offsets = [0, 3], sizes = [2048, 1], strides = [1, 1]} : vector<2048x16xf32> to vector<2048x1xf32>
    %get3A_31 = arith.constant 3 : index
    %get3A_32 = arith.constant 0 : index
    %get3A_33 = arith.constant 0 : index
    %get3A_34 = vector.load %arg0[%get3A_31, %get3A_32, %get3A_33] : memref<16x2048x32xf32, #tpu.memory_space<vmem>>, vector<1x2048x32xf32>
    %get3A_35 = vector.shape_cast %get3A_34 : vector<1x2048x32xf32> to vector<2048x32xf32>
    %mul3A_36 = vector.broadcast %slice3A_30 : vector<2048x1xf32> to vector<2048x32xf32>
    %mul3A_37 = arith.mulf %mul3A_36, %get3A_35 : vector<2048x32xf32>
    %add3A_38 = arith.addf %add3A_29, %mul3A_37 : vector<2048x32xf32>
    %slice3A_39 = vector.extract_strided_slice %logistic3A_6 {offsets = [0, 4], sizes = [2048, 1], strides = [1, 1]} : vector<2048x16xf32> to vector<2048x1xf32>
    %get3A_40 = arith.constant 4 : index
    %get3A_41 = arith.constant 0 : index
    %get3A_42 = arith.constant 0 : index
    %get3A_43 = vector.load %arg0[%get3A_40, %get3A_41, %get3A_42] : memref<16x2048x32xf32, #tpu.memory_space<vmem>>, vector<1x2048x32xf32>
    %get3A_44 = vector.shape_cast %get3A_43 : vector<1x2048x32xf32> to vector<2048x32xf32>
    %mul3A_45 = vector.broadcast %slice3A_39 : vector<2048x1xf32> to vector<2048x32xf32>
    %mul3A_46 = arith.mulf %mul3A_45, %get3A_44 : vector<2048x32xf32>
    %add3A_47 = arith.addf %add3A_38, %mul3A_46 : vector<2048x32xf32>
    %slice3A_48 = vector.extract_strided_slice %logistic3A_6 {offsets = [0, 5], sizes = [2048, 1], strides = [1, 1]} : vector<2048x16xf32> to vector<2048x1xf32>
    %get3A_49 = arith.constant 5 : index
    %get3A_50 = arith.constant 0 : index
    %get3A_51 = arith.constant 0 : index
    %get3A_52 = vector.load %arg0[%get3A_49, %get3A_50, %get3A_51] : memref<16x2048x32xf32, #tpu.memory_space<vmem>>, vector<1x2048x32xf32>
    %get3A_53 = vector.shape_cast %get3A_52 : vector<1x2048x32xf32> to vector<2048x32xf32>
    %mul3A_54 = vector.broadcast %slice3A_48 : vector<2048x1xf32> to vector<2048x32xf32>
    %mul3A_55 = arith.mulf %mul3A_54, %get3A_53 : vector<2048x32xf32>
    %add3A_56 = arith.addf %add3A_47, %mul3A_55 : vector<2048x32xf32>
    %slice3A_57 = vector.extract_strided_slice %logistic3A_6 {offsets = [0, 6], sizes = [2048, 1], strides = [1, 1]} : vector<2048x16xf32> to vector<2048x1xf32>
    %get3A_58 = arith.constant 6 : index
    %get3A_59 = arith.constant 0 : index
    %get3A_60 = arith.constant 0 : index
    %get3A_61 = vector.load %arg0[%get3A_58, %get3A_59, %get3A_60] : memref<16x2048x32xf32, #tpu.memory_space<vmem>>, vector<1x2048x32xf32>
    %get3A_62 = vector.shape_cast %get3A_61 : vector<1x2048x32xf32> to vector<2048x32xf32>
    %mul3A_63 = vector.broadcast %slice3A_57 : vector<2048x1xf32> to vector<2048x32xf32>
    %mul3A_64 = arith.mulf %mul3A_63, %get3A_62 : vector<2048x32xf32>
    %add3A_65 = arith.addf %add3A_56, %mul3A_64 : vector<2048x32xf32>
    %slice3A_66 = vector.extract_strided_slice %logistic3A_6 {offsets = [0, 7], sizes = [2048, 1], strides = [1, 1]} : vector<2048x16xf32> to vector<2048x1xf32>
    %get3A_67 = arith.constant 7 : index
    %get3A_68 = arith.constant 0 : index
    %get3A_69 = arith.constant 0 : index
    %get3A_70 = vector.load %arg0[%get3A_67, %get3A_68, %get3A_69] : memref<16x2048x32xf32, #tpu.memory_space<vmem>>, vector<1x2048x32xf32>
    %get3A_71 = vector.shape_cast %get3A_70 : vector<1x2048x32xf32> to vector<2048x32xf32>
    %mul3A_72 = vector.broadcast %slice3A_66 : vector<2048x1xf32> to vector<2048x32xf32>
    %mul3A_73 = arith.mulf %mul3A_72, %get3A_71 : vector<2048x32xf32>
    %add3A_74 = arith.addf %add3A_65, %mul3A_73 : vector<2048x32xf32>
    %slice3A_75 = vector.extract_strided_slice %logistic3A_6 {offsets = [0, 8], sizes = [2048, 1], strides = [1, 1]} : vector<2048x16xf32> to vector<2048x1xf32>
    %get3A_76 = arith.constant 8 : index
    %get3A_77 = arith.constant 0 : index
    %get3A_78 = arith.constant 0 : index
    %get3A_79 = vector.load %arg0[%get3A_76, %get3A_77, %get3A_78] : memref<16x2048x32xf32, #tpu.memory_space<vmem>>, vector<1x2048x32xf32>
    %get3A_80 = vector.shape_cast %get3A_79 : vector<1x2048x32xf32> to vector<2048x32xf32>
    %mul3A_81 = vector.broadcast %slice3A_75 : vector<2048x1xf32> to vector<2048x32xf32>
    %mul3A_82 = arith.mulf %mul3A_81, %get3A_80 : vector<2048x32xf32>
    %add3A_83 = arith.addf %add3A_74, %mul3A_82 : vector<2048x32xf32>
    %slice3A_84 = vector.extract_strided_slice %logistic3A_6 {offsets = [0, 9], sizes = [2048, 1], strides = [1, 1]} : vector<2048x16xf32> to vector<2048x1xf32>
    %get3A_85 = arith.constant 9 : index
    %get3A_86 = arith.constant 0 : index
    %get3A_87 = arith.constant 0 : index
    %get3A_88 = vector.load %arg0[%get3A_85, %get3A_86, %get3A_87] : memref<16x2048x32xf32, #tpu.memory_space<vmem>>, vector<1x2048x32xf32>
    %get3A_89 = vector.shape_cast %get3A_88 : vector<1x2048x32xf32> to vector<2048x32xf32>
    %mul3A_90 = vector.broadcast %slice3A_84 : vector<2048x1xf32> to vector<2048x32xf32>
    %mul3A_91 = arith.mulf %mul3A_90, %get3A_89 : vector<2048x32xf32>
    %add3A_92 = arith.addf %add3A_83, %mul3A_91 : vector<2048x32xf32>
    %slice3A_93 = vector.extract_strided_slice %logistic3A_6 {offsets = [0, 10], sizes = [2048, 1], strides = [1, 1]} : vector<2048x16xf32> to vector<2048x1xf32>
    %get3A_94 = arith.constant 10 : index
    %get3A_95 = arith.constant 0 : index
    %get3A_96 = arith.constant 0 : index
    %get3A_97 = vector.load %arg0[%get3A_94, %get3A_95, %get3A_96] : memref<16x2048x32xf32, #tpu.memory_space<vmem>>, vector<1x2048x32xf32>
    %get3A_98 = vector.shape_cast %get3A_97 : vector<1x2048x32xf32> to vector<2048x32xf32>
    %mul3A_99 = vector.broadcast %slice3A_93 : vector<2048x1xf32> to vector<2048x32xf32>
    %mul3A_100 = arith.mulf %mul3A_99, %get3A_98 : vector<2048x32xf32>
    %add3A_101 = arith.addf %add3A_92, %mul3A_100 : vector<2048x32xf32>
    %slice3A_102 = vector.extract_strided_slice %logistic3A_6 {offsets = [0, 11], sizes = [2048, 1], strides = [1, 1]} : vector<2048x16xf32> to vector<2048x1xf32>
    %get3A_103 = arith.constant 11 : index
    %get3A_104 = arith.constant 0 : index
    %get3A_105 = arith.constant 0 : index
    %get3A_106 = vector.load %arg0[%get3A_103, %get3A_104, %get3A_105] : memref<16x2048x32xf32, #tpu.memory_space<vmem>>, vector<1x2048x32xf32>
    %get3A_107 = vector.shape_cast %get3A_106 : vector<1x2048x32xf32> to vector<2048x32xf32>
    %mul3A_108 = vector.broadcast %slice3A_102 : vector<2048x1xf32> to vector<2048x32xf32>
    %mul3A_109 = arith.mulf %mul3A_108, %get3A_107 : vector<2048x32xf32>
    %add3A_110 = arith.addf %add3A_101, %mul3A_109 : vector<2048x32xf32>
    %slice3A_111 = vector.extract_strided_slice %logistic3A_6 {offsets = [0, 12], sizes = [2048, 1], strides = [1, 1]} : vector<2048x16xf32> to vector<2048x1xf32>
    %get3A_112 = arith.constant 12 : index
    %get3A_113 = arith.constant 0 : index
    %get3A_114 = arith.constant 0 : index
    %get3A_115 = vector.load %arg0[%get3A_112, %get3A_113, %get3A_114] : memref<16x2048x32xf32, #tpu.memory_space<vmem>>, vector<1x2048x32xf32>
    %get3A_116 = vector.shape_cast %get3A_115 : vector<1x2048x32xf32> to vector<2048x32xf32>
    %mul3A_117 = vector.broadcast %slice3A_111 : vector<2048x1xf32> to vector<2048x32xf32>
    %mul3A_118 = arith.mulf %mul3A_117, %get3A_116 : vector<2048x32xf32>
    %add3A_119 = arith.addf %add3A_110, %mul3A_118 : vector<2048x32xf32>
    %slice3A_120 = vector.extract_strided_slice %logistic3A_6 {offsets = [0, 13], sizes = [2048, 1], strides = [1, 1]} : vector<2048x16xf32> to vector<2048x1xf32>
    %get3A_121 = arith.constant 13 : index
    %get3A_122 = arith.constant 0 : index
    %get3A_123 = arith.constant 0 : index
    %get3A_124 = vector.load %arg0[%get3A_121, %get3A_122, %get3A_123] : memref<16x2048x32xf32, #tpu.memory_space<vmem>>, vector<1x2048x32xf32>
    %get3A_125 = vector.shape_cast %get3A_124 : vector<1x2048x32xf32> to vector<2048x32xf32>
    %mul3A_126 = vector.broadcast %slice3A_120 : vector<2048x1xf32> to vector<2048x32xf32>
    %mul3A_127 = arith.mulf %mul3A_126, %get3A_125 : vector<2048x32xf32>
    %add3A_128 = arith.addf %add3A_119, %mul3A_127 : vector<2048x32xf32>
    %slice3A_129 = vector.extract_strided_slice %logistic3A_6 {offsets = [0, 14], sizes = [2048, 1], strides = [1, 1]} : vector<2048x16xf32> to vector<2048x1xf32>
    %get3A_130 = arith.constant 14 : index
    %get3A_131 = arith.constant 0 : index
    %get3A_132 = arith.constant 0 : index
    %get3A_133 = vector.load %arg0[%get3A_130, %get3A_131, %get3A_132] : memref<16x2048x32xf32, #tpu.memory_space<vmem>>, vector<1x2048x32xf32>
    %get3A_134 = vector.shape_cast %get3A_133 : vector<1x2048x32xf32> to vector<2048x32xf32>
    %mul3A_135 = vector.broadcast %slice3A_129 : vector<2048x1xf32> to vector<2048x32xf32>
    %mul3A_136 = arith.mulf %mul3A_135, %get3A_134 : vector<2048x32xf32>
    %add3A_137 = arith.addf %add3A_128, %mul3A_136 : vector<2048x32xf32>
    %slice3A_138 = vector.extract_strided_slice %logistic3A_6 {offsets = [0, 15], sizes = [2048, 1], strides = [1, 1]} : vector<2048x16xf32> to vector<2048x1xf32>
    %get3A_139 = arith.constant 15 : index
    %get3A_140 = arith.constant 0 : index
    %get3A_141 = arith.constant 0 : index
    %get3A_142 = vector.load %arg0[%get3A_139, %get3A_140, %get3A_141] : memref<16x2048x32xf32, #tpu.memory_space<vmem>>, vector<1x2048x32xf32>
    %get3A_143 = vector.shape_cast %get3A_142 : vector<1x2048x32xf32> to vector<2048x32xf32>
    %mul3A_144 = vector.broadcast %slice3A_138 : vector<2048x1xf32> to vector<2048x32xf32>
    %mul3A_145 = arith.mulf %mul3A_144, %get3A_143 : vector<2048x32xf32>
    %add3A_146 = arith.addf %add3A_137, %mul3A_145 : vector<2048x32xf32>
    %get3A_147 = arith.constant 0 : index
    %get3A_148 = arith.constant 0 : index
    %get3A_149 = vector.load %arg2[%get3A_147, %get3A_148] : memref<2048x32xf32, #tpu.memory_space<vmem>>, vector<2048x32xf32>
    %get3A_150 = arith.constant 0 : index
    %get3A_151 = arith.constant 0 : index
    %get3A_152 = vector.load %arg4[%get3A_150, %get3A_151] : memref<96x256xf32, #tpu.memory_space<vmem>>, vector<32x256xf32>
    %dot_general3A = arith.constant dense<0.000000e+00> : vector<2048x256xf32>
    %dot_general3A_153 = tpu.matmul %get3A_149, %get3A_152, %dot_general3A {dimension_numbers = #tpu.dot_dimension_numbers<[1], [0], [0], [1], [0, 0, 1, 1], [], []>, transpose_lhs_hint = false} : vector<2048x32xf32>, vector<32x256xf32>, vector<2048x256xf32> -> vector<2048x256xf32>
    %get3A_154 = arith.constant 32 : index
    %get3A_155 = arith.constant 0 : index
    %get3A_156 = vector.load %arg4[%get3A_154, %get3A_155] : memref<96x256xf32, #tpu.memory_space<vmem>>, vector<32x256xf32>
    %dot_general3A_157 = arith.constant dense<0.000000e+00> : vector<2048x256xf32>
    %dot_general3A_158 = tpu.matmul %add3A_146, %get3A_156, %dot_general3A_157 {dimension_numbers = #tpu.dot_dimension_numbers<[1], [0], [0], [1], [0, 0, 1, 1], [], []>, transpose_lhs_hint = false} : vector<2048x32xf32>, vector<32x256xf32>, vector<2048x256xf32> -> vector<2048x256xf32>
    %add3A_159 = arith.addf %dot_general3A_153, %dot_general3A_158 : vector<2048x256xf32>
    %get3A_160 = arith.constant 0 : index
    %get3A_161 = arith.constant 0 : index
    %get3A_162 = vector.load %arg3[%get3A_160, %get3A_161] : memref<2048x32xf32, #tpu.memory_space<vmem>>, vector<2048x32xf32>
    %get3A_163 = arith.constant 64 : index
    %get3A_164 = arith.constant 0 : index
    %get3A_165 = vector.load %arg4[%get3A_163, %get3A_164] : memref<96x256xf32, #tpu.memory_space<vmem>>, vector<32x256xf32>
    %dot_general3A_166 = arith.constant dense<0.000000e+00> : vector<2048x256xf32>
    %dot_general3A_167 = tpu.matmul %get3A_162, %get3A_165, %dot_general3A_166 {dimension_numbers = #tpu.dot_dimension_numbers<[1], [0], [0], [1], [0, 0, 1, 1], [], []>, transpose_lhs_hint = false} : vector<2048x32xf32>, vector<32x256xf32>, vector<2048x256xf32> -> vector<2048x256xf32>
    %add3A_168 = arith.addf %add3A_159, %dot_general3A_167 : vector<2048x256xf32>
    %get3A_169 = arith.constant 0 : index
    %get3A_170 = arith.constant 0 : index
    %get3A_171 = vector.load %arg5[%get3A_169, %get3A_170] : memref<1x256xf32, #tpu.memory_space<vmem>>, vector<1x256xf32>
    %add3A_172 = vector.broadcast %get3A_171 : vector<1x256xf32> to vector<2048x256xf32>
    %add3A_173 = arith.addf %add3A_168, %add3A_172 : vector<2048x256xf32>
    %tanh3A = math.tanh %add3A_173 : vector<2048x256xf32>
    %get3A_174 = arith.constant 0 : index
    %get3A_175 = arith.constant 0 : index
    %get3A_176 = vector.load %arg6[%get3A_174, %get3A_175] : memref<256x32xf32, #tpu.memory_space<vmem>>, vector<256x32xf32>
    %dot_general3A_177 = arith.constant dense<0.000000e+00> : vector<2048x32xf32>
    %dot_general3A_178 = tpu.matmul %tanh3A, %get3A_176, %dot_general3A_177 {dimension_numbers = #tpu.dot_dimension_numbers<[1], [0], [0], [1], [0, 0, 1, 1], [], []>, transpose_lhs_hint = false} : vector<2048x256xf32>, vector<256x32xf32>, vector<2048x32xf32> -> vector<2048x32xf32>
    %get3A_179 = arith.constant 0 : index
    %get3A_180 = arith.constant 0 : index
    %get3A_181 = vector.load %arg7[%get3A_179, %get3A_180] : memref<1x32xf32, #tpu.memory_space<vmem>>, vector<1x32xf32>
    %add3A_182 = vector.broadcast %get3A_181 : vector<1x32xf32> to vector<2048x32xf32>
    %add3A_183 = arith.addf %dot_general3A_178, %add3A_182 : vector<2048x32xf32>
    %tanh3A_184 = math.tanh %add3A_183 : vector<2048x32xf32>
    %slice3A_185 = vector.extract_strided_slice %tanh3A_184 {offsets = [0, 0], sizes = [512, 32], strides = [1, 1]} : vector<2048x32xf32> to vector<512x32xf32>
    %slice3A_186 = vector.extract_strided_slice %tanh3A_184 {offsets = [512, 0], sizes = [512, 32], strides = [1, 1]} : vector<2048x32xf32> to vector<512x32xf32>
    %add3A_187 = arith.addf %slice3A_185, %slice3A_186 : vector<512x32xf32>
    %slice3A_188 = vector.extract_strided_slice %tanh3A_184 {offsets = [1024, 0], sizes = [512, 32], strides = [1, 1]} : vector<2048x32xf32> to vector<512x32xf32>
    %add3A_189 = arith.addf %add3A_187, %slice3A_188 : vector<512x32xf32>
    %slice3A_190 = vector.extract_strided_slice %tanh3A_184 {offsets = [1536, 0], sizes = [512, 32], strides = [1, 1]} : vector<2048x32xf32> to vector<512x32xf32>
    %add3A_191 = arith.addf %add3A_189, %slice3A_190 : vector<512x32xf32>
    %mul3A_192 = arith.constant 2.500000e-01 : f32
    %mul3A_193 = vector.broadcast %mul3A_192 : f32 to vector<512x32xf32>
    %mul3A_194 = arith.mulf %add3A_191, %mul3A_193 : vector<512x32xf32>
    %swap3A = arith.constant 0 : index
    %swap3A_195 = arith.constant 0 : index
    %swap3A_196 = vector.load %arg8[%swap3A, %swap3A_195] : memref<512x32xf32, #tpu.memory_space<vmem>>, vector<512x32xf32>
    tpu.vector_store %arg8[%swap3A, %swap3A_195], %mul3A_194 {strides = array<i32>} : memref<512x32xf32, #tpu.memory_space<vmem>>, vector<512x32xf32>,
    return
  }
}

</mosaic_0001>

<sc_bundles>
// kernel: kernel.4.cloned.1.call-start
scs
__scs_entry_jumppad:
0x0: {  	(pc) =	sbr.rel $0x88, $3  }
0x1: {  	(tag) =	ssettag $0x0;
	lr =	simm.s32 $0x1  }
0x2: {  	[smem:$0x3F98] =	sst lr;
	_ =	strace $0xD0000000  }
0x3: {  	_ = 	snop  }
0x4: {  	_ = 	snop  }
0x5: {  	_ = 	snop  }
0x6: {  	_ = 	snop  }
0x7: {  	_ = 	snop  }
__scs_overlays_trampoline_lowered:
0x8: {  	[smem:$0x3FA7] =	sst s0  }
0x9: {  	[smem:$0x3FA8] =	sst s1  }
0xa: {  	[smem:$0x3FA9] =	sst s2  }
0xb: {  	[smem:$0x3FAA] =	sst s3  }
0xc: {  	[smem:$0x3FAB] =	sst s4  }
0xd: {  	[smem:$0x3FAC] =	sst s5  }
0xe: {  	[smem:$0x3FAD] =	sst s6  }
0xf: {  	[smem:$0x3FAE] =	sst s7  }
0x10: {  	[smem:$0x3FAF] =	sst s8  }
0x11: {  	[smem:$0x3FB0] =	sst s9;
	s0 =	simm.s32 @!p0 $0x0  }
0x12: {  	s1 =	sld [smem:$0x3F96];
	s0 =	simm.s32 @p0 $0x1  }
0x13: {  	[smem:$0x3FB1] =	sst s0;
	s0 =	simm.s32 @!p1 $0x0  }
0x14: {  	s2 =	sld [smem:$0x3F95];
	s0 =	simm.s32 @p1 $0x1  }
0x15: {  	[smem:$0x3FB2] =	sst s0;
	s0 =	simm.s32 @!p2 $0x0  }
0x16: {  	s3 =	sld [smem:$0x3FDB];
	s0 =	simm.s32 @p2 $0x1  }
0x17: {  	s4 =	simm.s32 $0x1BF5;
	[smem:$0x3FB4] =	sst s0  }
0x18: {  	s0 =	sld [smem:$0x3F97];
	_ =	swait.ge [sflag:s4], $0x0  }
0x19: {  	s7 =	sld [smem:$0x3F98]  }
0x1a: {  	s8 =	sadd.s32 $0xFFFFE003, lr  }
0x1b: {  	s9 =	sadd.s32 $0xFFFFFEF7, lr;
	s5 =	simm.s32 $0xFFFFFFFF;
	p2 =	slt.u32 s8, $0xFFFFF086  }
0x1c: {  	p1 =	slt.u32 s9, $0xF7A;
	s5 =	simm.s32 @!p2 $0x0  }
0x1d: {  	s5 =	simm.s32 @p1 $0x1;
	p0 =	seq.s32 s7, s2  }
0x1e: {  	s7 =	smul.u32 @!p0 $0xF7A, s2;
	p2 =	seq.s32 @!p0 s5, $0x0  }
0x1f: {  	s9 =	smul.u32 $0xF7A, s1;
	s8 =	simm.s32 @!p0 $0x1BF5;
	p2 =	por !p2, p0  }
0x20: {  	[sflag:s8] =	ssyncset.s32 @!p0 $0xFFFFF086;
	s6 =	sadd.s32 @!p0 s3, s7;
	s7 =	simm.s32 @!p0 $0x108  }
0x21: {  	s3 =	sadd.s32 s3, s9;
	s6 =	sadd.s32 @!p0 $0x88, s6;
	s7 =	simm.s32 @p2 $0x1082  }
0x22: {  	[simem:s7], [sflag:s8] =	dma.local @!p0 [hbm:s6], $0xF7A  }
0x23: {  	s9 =	sor.u32 $0xD0000000, s2;
	s6 =	simm.s32 $0x108;
	_ =	swait.ge @!p0 [sflag:s8], $0x0  }
0x24: {  	s3 =	sadd.s32 $0x88, s3;
	s6 =	simm.s32 @!p1 $0x1082;
	[sflag:s4] =	ssyncset.s32 $0xFFFFF086  }
0x25: {  	[simem:s6], [sflag:s4] =	dma.local [hbm:s3], $0xF7A  }
0x26: {  	[smem:$0x3F98] =	sst s1;
	(tag) =	ssettag s2;
	_ =	strace s9  }
0x27: {  	s1 =	sld [smem:$0x3FA8]  }
0x28: {  	s2 =	sld [smem:$0x3FA9]  }
0x29: {  	s4 =	sld [smem:$0x3FAB]  }
0x2a: {  	p0 =	seq.s32 s5, $0x0;
	s5 =	sld [smem:$0x3FAC]  }
0x2b: {  	s6 =	sld [smem:$0x3FAD]  }
0x2c: {  	s7 =	sld [smem:$0x3FAE]  }
0x2d: {  	s3 =	simm.s32 $0x108;
	s8 =	sld [smem:$0x3FAF]  }
0x2e: {  	s3 =	simm.s32 @!p0 $0x1082;
	s9 =	sld [smem:$0x3FB0]  }
0x2f: {  	lr =	sadd.s32 s0, s3;
	s0 =	sld [smem:$0x3FA7]  }
0x30: {  	s3 =	sld [smem:$0x3FAA]  }
0x31: {  	[smem:$0x3FB3] =	sst s10  }
0x32: {  	s10 =	sld [smem:$0x3FB1];
	_ =	sdelay $0x3  }
0x33: {  	p0 =	seq.s32 s10, $0x1;
	s10 =	sld [smem:$0x3FB3];
	_ =	sdelay $0x3  }
0x34: {  	[smem:$0x3FB3] =	sst s10  }
0x35: {  	s10 =	sld [smem:$0x3FB2];
	_ =	sdelay $0x3  }
0x36: {  	p1 =	seq.s32 s10, $0x1;
	s10 =	sld [smem:$0x3FB3];
	_ =	sdelay $0x3  }
0x37: {  	[smem:$0x3FB3] =	sst s10  }
0x38: {  	s10 =	sld [smem:$0x3FB4]  }
0x39: {  	_ = 	snop;
	(pc) =	sbr.ind lr, $3  }
0x3a: {  	_ = 	snop  }
0x3b: {  	_ = 	snop  }
0x3c: {  	p2 =	seq.s32 s10, $0x1;
	s10 =	sld [smem:$0x3FB3]  }
0x3d: {  	_ =	shalt  }
0x3e: {  	_ =	shalt  }
0x3f: {  	_ =	shalt  }
0x40: {  	_ =	shalt  }
0x41: {  	_ =	shalt  }
0x42: {  	_ =	shalt  }
0x43: {  	_ =	shalt  }
0x44: {  	_ =	shalt  }
0x45: {  	_ =	shalt  }
0x46: {  	_ =	shalt  }
0x47: {  	_ =	shalt  }
0x48: {  	_ =	shalt  }
0x49: {  	_ =	shalt  }
0x4a: {  	_ =	shalt  }
0x4b: {  	_ =	shalt  }
0x4c: {  	_ =	shalt  }
0x4d: {  	_ =	shalt  }
0x4e: {  	_ =	shalt  }
0x4f: {  	_ =	shalt  }
0x50: {  	_ =	shalt  }
0x51: {  	_ =	shalt  }
0x52: {  	_ =	shalt  }
0x53: {  	_ =	shalt  }
0x54: {  	_ =	shalt  }
0x55: {  	_ =	shalt  }
0x56: {  	_ =	shalt  }
0x57: {  	_ =	shalt  }
0x58: {  	_ =	shalt  }
0x59: {  	_ =	shalt  }
0x5a: {  	_ =	shalt  }
0x5b: {  	_ =	shalt  }
0x5c: {  	_ =	shalt  }
0x5d: {  	_ =	shalt  }
0x5e: {  	_ =	shalt  }
0x5f: {  	_ =	shalt  }
0x60: {  	_ =	shalt  }
0x61: {  	_ =	shalt  }
0x62: {  	_ =	shalt  }
0x63: {  	_ =	shalt  }
0x64: {  	_ =	shalt  }
0x65: {  	_ =	shalt  }
0x66: {  	_ =	shalt  }
0x67: {  	_ =	shalt  }
0x68: {  	_ =	shalt  }
0x69: {  	_ =	shalt  }
0x6a: {  	_ =	shalt  }
0x6b: {  	_ =	shalt  }
0x6c: {  	_ =	shalt  }
0x6d: {  	_ =	shalt  }
0x6e: {  	_ =	shalt  }
0x6f: {  	_ =	shalt  }
0x70: {  	_ =	shalt  }
0x71: {  	_ =	shalt  }
0x72: {  	_ =	shalt  }
0x73: {  	_ =	shalt  }
0x74: {  	_ =	shalt  }
0x75: {  	_ =	shalt  }
0x76: {  	_ =	shalt  }
0x77: {  	_ =	shalt  }
0x78: {  	_ =	shalt  }
0x79: {  	_ =	shalt  }
0x7a: {  	_ =	shalt  }
0x7b: {  	_ =	shalt  }
0x7c: {  	_ =	shalt  }
0x7d: {  	_ =	shalt  }
0x7e: {  	_ =	shalt  }
0x7f: {  	_ =	shalt  }
0x80: {  	_ =	shalt  }
0x81: {  	_ =	shalt  }
0x82: {  	_ =	shalt  }
0x83: {  	_ =	shalt  }
0x84: {  	_ =	shalt  }
0x85: {  	_ =	shalt  }
0x86: {  	_ =	shalt  }
0x87: {  	_ =	shalt  }
.Lfunc_end0:
.L_simem_size_0:
called_computation_lowered:
.L_overlay_start_0:
0x88: {  	s2 =	sld [smem:$0x3FD9]  }
0x89: {  	s3 =	sld [smem:$0x3FFE];
	_ =	sdelay $0x1  }
0x8a: {  	s1 =	srdreg.scid  }
0x8b: {  	s0 =	sand.u32 $0x1, s1  }
0x8c: {  	s16 =	sshll.u32 s0, $0xA;
	s2 =	sadd.s32 s3, s2  }
0x8d: {  	s2 =	sadd.s32 s2, s16  }
0x8e: {  	[smem:$0x3FBF] =	sst s2  }
0x8f: {  	_ = 	snop  }
0x90: {  	(tm) =	ssettm $0x1  }
0x91: {  	s17 =	sld [smem:$0x3FFB];
	_ =	sdelay $0x3  }
0x92: {  	_ =	strace s17  }
0x93: {  	s2 =	sld [smem:$0x3FFC];
	_ =	sdelay $0x3  }
0x94: {  	_ =	strace s2  }
0x95: {  	s2 =	sld [smem:$0x3FFD];
	_ =	sdelay $0x3  }
0x96: {  	_ =	strace s2  }
0x97: {  	_ =	strace $0x8FFFFFFF  }
0x98: {  	s18 =	sld [smem:$0x3FDB];
	_ =	sdelay $0x1  }
0x99: {  	s19 =	simm.s32 $_scs_section_size  }
0x9a: {  	s4 =	simm.s32 $_size__tile_overlayer_lowered;
	s5 =	simm.s32 $_tile_overlayer_lowered  }
0x9b: {  	s22 =	simm.s32 $0x1BFF;
	s21 =	sshll.u32 s5, $0x1;
	s2 =	sadd.s32 s19, s18  }
0x9c: {  	s6 =	simm.s32 $0x0;
	s20 =	sshll.u32 s4, $0x1;
	s4 =	sadd.s32 s21, s2  }
0x9d: {  	[timem:s6], [sflag:s22] =	dma.local [hbm:s4], s20  }
0x9e: {  	_ =	swait.ge [sflag:s22], s20  }
0x9f: {  	s3 =	ssub.s32 $0x0, s20;
	[sflag:s22] =	ssyncset.done $0x0  }
0xa0: {  	[sflag:s22] =	ssyncadd.s32 s3;
	_ =	sdelay $0x1  }
0xa1: {  	s23 =	simm.s32 $0x1B8B  }
0xa2: {  	_ =	swait.ge [sflag:s23], $0x1  }
0xa3: {  	[sflag:s23] =	ssyncset.done $0x0  }
0xa4: {  	s25 =	simm.s32 $0x1B8E;
	s24 =	sld [smem:$0x3FFE];
	[sflag:s23] =	ssyncadd.s32 $0xFFFFFFFF  }
0xa5: {  	s26 =	simm.s32 $execute0_lowered;
	[smem:$0x3FD2] =	sst s25  }
0xa6: {  	s4 =	sshll.u32 s26, $0x1;
	_ =	strace $0x80000046;
	[dreg:$0x1] =	wrdreg $0xFFFFFFFF  }
0xa7: {  	s28 =	simm.s32 $_size_execute0_lowered;
	s2 =	sadd.s32 s2, s4;
	[dreg:$0x0] =	wrdreg $0x0  }
0xa8: {  	s4 =	sshll.u32 s28, $0x1;
	[dreg:$0x2] =	wrdreg s2  }
0xa9: {  	[dreg:$0x3] =	wrdreg s4  }
0xaa: {  	[dreg:$0x4] =	wrdreg $0xC0  }
0xab: {  	_ =	task [dreg:s6], $0x5FFFF  }
0xac: {  	[dreg:$0x1] =	wrdreg $0xFFFFFFFF  }
0xad: {  	[dreg:$0x0] =	wrdreg $0x60  }
0xae: {  	[dreg:$0x2] =	wrdreg s24  }
0xaf: {  	[dreg:$0x3] =	wrdreg $0x9  }
0xb0: {  	_ =	task.clear_ibuf [dreg:s6], $0x4FFFF;
	_ =	strace $0x90000046  }
0xb1: {  	s29 =	simm.s32 $0x9;
	_ =	strace $0x80000048  }
0xb2: {  	_ =	swait.ge [sflag:s29], $0x1  }
0xb3: {  	[sflag:s29] =	ssyncadd.s32 $0xFFFFFFFF  }
0xb4: {  	_ =	strace $0x90000048  }
0xb5: {  	_ =	sfence  }
0xb6: {  	s30 =	sld [smem:$0x0];
	_ =	sdelay $0x2  }
0xb7: {  	s31 =	sshll.u32 s1, $0xD;
	s1 =	sshrl.u32 s1, $0x2  }
0xb8: {  	s3 =	sand.u32 $0x4000, s31;
	s1 =	sadd.s32 s1, s30  }
0xb9: {  	s0 =	sor.u32 s3, s0;
	s1 =	sshll.u32 s1, $0x11  }
0xba: {  	s0 =	sor.u32 s1, s0  }
0xbb: {  	s0 =	sadd.s32 $0x8F2B, s0  }
0xbc: {  	[sflag:s0] =	ssyncadd.remote.s32 $0x1  }
0xbd: {  	_ =	sfence.sel $0xFFFF  }
0xbe: {  	[dreg:$0x0] =	wrdreg $0xFFFFFFFF;
	(pc) =	sbr.abs _section_cstart, $3  }
0xbf: {  	[dreg:$0x1] =	wrdreg $0xFFFFFFFF  }
0xc0: {  	_ =	task.clear_ibuf [dreg:s6], $0x2FFFF;
	_ =	strace $0x9FFFFFFF  }
0xc1: {  	(tm) =	ssettm $0x7FFFFFFF  }
tec
execute0_lowered:
.L_overlay_start_1:
0x0: {  	(tag) =	ssettag $0x1  }
0x1: {  	s1 =	srdreg.scid  }
0x2: {  	s0 =	stileid.u32;
	s23 =	sand.u32 $0x1, s1  }
0x3: {  	s31 =	sshll.u32 s0, $0xB;
	s2 =	sshll.u32 s23, $0xA  }
0x4: {  	s22 =	rddreg [dreg:$0x0];
	s24 =	sor.u32 s2, s31  }
0x5: {  	s1 =	rddreg [dreg:$0x1];
	s2 =	simm.s32 $0x0;
	s3 =	sshrl.u32 s24, $0x3  }
0x6: {  	[smem:$0x7FF] =	sst s2;
	s3 =	sadd.s32 s3, s22  }
0x7: {  	_ =	strace $0x80000047;
	s4 =	sadd.s32 $0x1A00, s3;
	s3 =	simm.s32 $0x2  }
0x8: {  	[tilespmem:s2], [sflag:$0x2] =	stream.linear.gather [hbm4b:s4+s2], $0x400, $0x38;
	[tilespmem:$0x8400] =	vst v63  }
0x9: {  	_ =	swait.ge [sflag:s3], $0x400  }
0xa: {  	s6 =	simm.s32 $0x80;
	[sflag:s3] =	ssyncset.done $0x0  }
0xb: {  	s7 =	simm.s32 $0x400;
	s5 =	sadd.s32 $0x101A00, s22;
	[sflag:s3] =	ssyncadd.s32 $0xFFFFFC00  }
0xc: {  	[tilespmem:s7], [sflag:$0x1] =	stream.indirect.gather [hbm4b:s5+s6], $0x20, s2, s6, $0xb8;
	[tilespmem:$0x8400] =	vst v63  }
0xd: {  	s8 =	simm.s32 $0x1400  }
0xe: {  	[tilespmem:s8], [sflag:$0x1] =	stream.indirect.gather [hbm4b:s5+s6], $0x20, s6, s6, $0xb8;
	[tilespmem:$0x8400] =	vst v63  }
0xf: {  	s9 =	simm.s32 $0x100;
	s10 =	simm.s32 $0x2400  }
0x10: {  	[tilespmem:s10], [sflag:$0x1] =	stream.indirect.gather [hbm4b:s5+s6], $0x20, s9, s6, $0xb8;
	[tilespmem:$0x8400] =	vst v63  }
0x11: {  	s11 =	simm.s32 $0x180;
	s12 =	simm.s32 $0x3400  }
0x12: {  	[tilespmem:s12], [sflag:$0x1] =	stream.indirect.gather [hbm4b:s5+s6], $0x20, s11, s6, $0xb8;
	[tilespmem:$0x8400] =	vst v63  }
0x13: {  	s13 =	simm.s32 $0x200;
	s14 =	simm.s32 $0x4400  }
0x14: {  	[tilespmem:s14], [sflag:$0x1] =	stream.indirect.gather [hbm4b:s5+s6], $0x20, s13, s6, $0xb8;
	[tilespmem:$0x8400] =	vst v63  }
0x15: {  	s15 =	simm.s32 $0x280;
	s16 =	simm.s32 $0x5400  }
0x16: {  	[tilespmem:s16], [sflag:$0x1] =	stream.indirect.gather [hbm4b:s5+s6], $0x20, s15, s6, $0xb8;
	[tilespmem:$0x8400] =	vst v63  }
0x17: {  	s17 =	simm.s32 $0x300;
	s18 =	simm.s32 $0x6400  }
0x18: {  	[tilespmem:s18], [sflag:$0x1] =	stream.indirect.gather [hbm4b:s5+s6], $0x20, s17, s6, $0xb8;
	[tilespmem:$0x8400] =	vst v63  }
0x19: {  	s19 =	simm.s32 $0x380;
	s20 =	simm.s32 $0x7400;
	s21 =	simm.s32 $0x1  }
0x1a: {  	[tilespmem:s20], [sflag:$0x1] =	stream.indirect.gather [hbm4b:s5+s6], $0x20, s19, s6, $0xb8;
	[tilespmem:$0x8400] =	vst v63  }
0x1b: {  	_ =	swait.ge [sflag:s21], $0x1000  }
0x1c: {  	[sflag:s21] =	ssyncset.done $0x0  }
0x1d: {  	[sflag:s21] =	ssyncadd.s32 $0xFFFFF000  }
0x1e: {  	_ =	swait.ge [sflag:s21], $0x1000  }
0x1f: {  	[sflag:s21] =	ssyncset.done $0x0  }
0x20: {  	[sflag:s21] =	ssyncadd.s32 $0xFFFFF000  }
0x21: {  	_ =	swait.ge [sflag:s21], $0x1000  }
0x22: {  	[sflag:s21] =	ssyncset.done $0x0  }
0x23: {  	[sflag:s21] =	ssyncadd.s32 $0xFFFFF000  }
0x24: {  	_ =	swait.ge [sflag:s21], $0x1000  }
0x25: {  	[sflag:s21] =	ssyncset.done $0x0  }
0x26: {  	[sflag:s21] =	ssyncadd.s32 $0xFFFFF000  }
0x27: {  	_ =	swait.ge [sflag:s21], $0x1000  }
0x28: {  	[sflag:s21] =	ssyncset.done $0x0  }
0x29: {  	[sflag:s21] =	ssyncadd.s32 $0xFFFFF000  }
0x2a: {  	_ =	swait.ge [sflag:s21], $0x1000  }
0x2b: {  	[sflag:s21] =	ssyncset.done $0x0  }
0x2c: {  	s23 =	ssub.s32 $0x2, s23;
	[sflag:s21] =	ssyncadd.s32 $0xFFFFF000  }
0x2d: {  	s25 =	sshrl.u32 s23, $0x1;
	_ =	swait.ge [sflag:s21], $0x1000  }
0x2e: {  	s23 =	ssub.s32 s23, s25;
	[sflag:s21] =	ssyncset.done $0x0  }
0x2f: {  	s23 =	smax.u32 s23, $0x1;
	[sflag:s21] =	ssyncadd.s32 $0xFFFFF000  }
0x30: {  	s24 =	sshll.u32 s24, $0x2;
	p0 =	sne.s32 s23, $0x1;
	_ =	swait.ge [sflag:s21], $0x1000  }
.Ltmp0:
0x31: {  	s22 =	sadd.s32 s24, s22;
	[sflag:s21] =	ssyncset.done $0x0;
	(pc) =	sbr.rel @!p0 .LBB2_2-.Ltmp0, $4  }
0x32: {  	s22 =	sadd.s32 $0x2A00, s22;
	[sflag:s21] =	ssyncadd.s32 $0xFFFFF000  }
0x33: {  	[hbm4b:s22+s2] =	stream.linear.scatter [tilespmem:s7], [sflag:$0x2], $0x8000, $0x38;
	[tilespmem:$0x8400] =	vst v63  }
0x34: {  	_ =	swait.ge [sflag:s3], $0x8000  }
0x35: {  	s23 =	sadd.s32 $0xFFFFFFFF, s23;
	[sflag:s3] =	ssyncset.done $0x0  }
.LBB2_1:
0x36: {  	p0 =	sne.s32 s23, $0x1;
	s23 =	sadd.s32 $0xFFFFFFFF, s23;
	[sflag:s3] =	ssyncadd.s32 $0xFFFF8000  }
0x37: {  	[tilespmem:s2], [sflag:$0x2] =	stream.linear.gather [hbm4b:s4+s2], $0x400, $0x38;
	[tilespmem:$0x8400] =	vst v63  }
0x38: {  	_ =	swait.ge [sflag:s3], $0x400  }
0x39: {  	[sflag:s3] =	ssyncset.done $0x0  }
0x3a: {  	[sflag:s3] =	ssyncadd.s32 $0xFFFFFC00  }
0x3b: {  	[tilespmem:s7], [sflag:$0x1] =	stream.indirect.gather [hbm4b:s5+s6], $0x20, s2, s6, $0xb8;
	[tilespmem:$0x8400] =	vst v63  }
0x3c: {  	_ = 	snop  }
0x3d: {  	[tilespmem:s8], [sflag:$0x1] =	stream.indirect.gather [hbm4b:s5+s6], $0x20, s6, s6, $0xb8;
	[tilespmem:$0x8400] =	vst v63  }
0x3e: {  	_ = 	snop  }
0x3f: {  	[tilespmem:s10], [sflag:$0x1] =	stream.indirect.gather [hbm4b:s5+s6], $0x20, s9, s6, $0xb8;
	[tilespmem:$0x8400] =	vst v63  }
0x40: {  	_ = 	snop  }
0x41: {  	[tilespmem:s12], [sflag:$0x1] =	stream.indirect.gather [hbm4b:s5+s6], $0x20, s11, s6, $0xb8;
	[tilespmem:$0x8400] =	vst v63  }
0x42: {  	_ = 	snop  }
0x43: {  	[tilespmem:s14], [sflag:$0x1] =	stream.indirect.gather [hbm4b:s5+s6], $0x20, s13, s6, $0xb8;
	[tilespmem:$0x8400] =	vst v63  }
0x44: {  	_ = 	snop  }
0x45: {  	[tilespmem:s16], [sflag:$0x1] =	stream.indirect.gather [hbm4b:s5+s6], $0x20, s15, s6, $0xb8;
	[tilespmem:$0x8400] =	vst v63  }
0x46: {  	_ = 	snop  }
0x47: {  	[tilespmem:s18], [sflag:$0x1] =	stream.indirect.gather [hbm4b:s5+s6], $0x20, s17, s6, $0xb8;
	[tilespmem:$0x8400] =	vst v63  }
0x48: {  	_ = 	snop  }
0x49: {  	[tilespmem:s20], [sflag:$0x1] =	stream.indirect.gather [hbm4b:s5+s6], $0x20, s19, s6, $0xb8;
	[tilespmem:$0x8400] =	vst v63  }
0x4a: {  	_ =	swait.ge [sflag:s21], $0x1000  }
0x4b: {  	[sflag:s21] =	ssyncset.done $0x0  }
0x4c: {  	[sflag:s21] =	ssyncadd.s32 $0xFFFFF000  }
0x4d: {  	_ =	swait.ge [sflag:s21], $0x1000  }
0x4e: {  	[sflag:s21] =	ssyncset.done $0x0  }
0x4f: {  	[sflag:s21] =	ssyncadd.s32 $0xFFFFF000  }
0x50: {  	_ =	swait.ge [sflag:s21], $0x1000  }
0x51: {  	[sflag:s21] =	ssyncset.done $0x0  }
0x52: {  	[sflag:s21] =	ssyncadd.s32 $0xFFFFF000  }
0x53: {  	_ =	swait.ge [sflag:s21], $0x1000  }
0x54: {  	[sflag:s21] =	ssyncset.done $0x0  }
0x55: {  	[sflag:s21] =	ssyncadd.s32 $0xFFFFF000  }
0x56: {  	_ =	swait.ge [sflag:s21], $0x1000  }
0x57: {  	[sflag:s21] =	ssyncset.done $0x0  }
0x58: {  	[sflag:s21] =	ssyncadd.s32 $0xFFFFF000  }
0x59: {  	_ =	swait.ge [sflag:s21], $0x1000  }
0x5a: {  	[sflag:s21] =	ssyncset.done $0x0  }
0x5b: {  	[sflag:s21] =	ssyncadd.s32 $0xFFFFF000  }
0x5c: {  	_ =	swait.ge [sflag:s21], $0x1000  }
0x5d: {  	[sflag:s21] =	ssyncset.done $0x0  }
0x5e: {  	[sflag:s21] =	ssyncadd.s32 $0xFFFFF000  }
0x5f: {  	_ =	swait.ge [sflag:s21], $0x1000  }
.Ltmp1:
0x60: {  	[sflag:s21] =	ssyncset.done $0x0;
	(pc) =	sbr.rel @p0 .LBB2_1-.Ltmp1, $4  }
0x61: {  	[sflag:s21] =	ssyncadd.s32 $0xFFFFF000  }
0x62: {  	[hbm4b:s22+s2] =	stream.linear.scatter [tilespmem:s7], [sflag:$0x2], $0x8000, $0x38;
	[tilespmem:$0x8400] =	vst v63  }
0x63: {  	_ =	swait.ge [sflag:s3], $0x8000  }
0x64: {  	[sflag:s3] =	ssyncset.done $0x0  }
.LBB2_2:
0x65: {  	[sflag:s3] =	ssyncadd.s32 $0xFFFF8000  }
0x66: {  	_ =	sfence.sel $0x180000  }
0x67: {  	[bflag:$0x0] =	sbarrier.arrive $0xFFFF  }
0x68: {  	p0 =	sne.s32 s0, $0x0;
	_ =	strace $0x90000047  }
0x69: {  	s0 =	sadd.s32 @!p0 $0x100000, s1;
	[bflag:$0x2] =	sbarrier.arrive $0xFFFF  }
0x6a: {  	[sflag:s0] =	ssyncadd.tile.s32 @!p0 $0x1;
	_ =	shalt  }
.Lfunc_end2:
_tile_overlayer_lowered:
.L_overlay_start_2:
0x6b: {  	(tag) =	ssettag $0x2  }
0x6c: {  	s0 =	rddreg [dreg:$0x0];
	s2 =	stileid.u32  }
0x6d: {  	s1 =	rddreg [dreg:$0x1];
	p0 =	sne.s32 s2, $0x0  }
0x6e: {  	s3 =	rddreg [dreg:$0x2];
	[bflag:$0x3] =	sbarrier.arrive $0xFFFF;
	s2 =	simm.s32 @!p0 $0x1C02  }
0x6f: {  	[timem:s3], [sflag:s2] =	dma.local @!p0 [hbm:s0], s1  }
0x70: {  	s0 =	simm.s32 @!p0 $0x2  }
0x71: {  	_ =	swait.ge @!p0 [sflag:s0], s1  }
0x72: {  	s1 =	ssub.s32 @!p0 $0x0, s1;
	[sflag:s0] =	ssyncset.done @!p0 $0x0  }
0x73: {  	[sflag:s0] =	ssyncadd.s32 @!p0 s1  }
0x74: {  	[bflag:$0x3] =	sbarrier.arrive $0xFFFF  }
0x75: {  	_ =	shalt  }

</sc_bundles>
